<compile_context>
chip_gen: v7x
topology: tpu7x:2x2x1
jax: 0.10.2.dev20260603
libtpu: 0.0.44.dev20260713+nightly
codegen_flags: <defaults>
</compile_context>

<pallas_src>
import jax
import jax.numpy as jnp
from jax.experimental import pallas as pl
from jax.experimental.pallas import tpu as pltpu

_B, _T, _C, _H, _E = 8, 4, 768, 2048, 8
_N = _B * _T
_HE = _H * _E
_BLK = 2048
_NBLK = _HE // _BLK


def _moe_body(x_ref, wg_ref, wfc_ref, wp_ref, o_ref, w_scr):
    j = pl.program_id(0)

    @pl.when(j == 0)
    def _():
        gate = jnp.dot(x_ref[...], wg_ref[...],
                       preferred_element_type=jnp.float32)
        e_iota = jax.lax.broadcasted_iota(jnp.int32, (_N, _E), 1)
        i1 = jnp.argmax(gate, axis=-1)
        is1 = e_iota == i1[:, None]
        m1 = jnp.max(gate, axis=-1, keepdims=True)
        gate2 = jnp.where(is1, -jnp.inf, gate)
        i2 = jnp.argmax(gate2, axis=-1)
        is2 = e_iota == i2[:, None]
        m2 = jnp.max(gate2, axis=-1, keepdims=True)
        w_scr[...] = jnp.where(is1, m1, 0.0) + jnp.where(is2, m2, 0.0)

    h = jnp.dot(x_ref[...], wfc_ref[...],
                preferred_element_type=jnp.float32)
    h = jax.nn.gelu(h, approximate=True)
    w = w_scr[...]
    col_e = jax.lax.broadcasted_iota(jnp.int32, (_N, _BLK), 1) % _E
    wm = jnp.zeros((_N, _BLK), jnp.float32)
    for e in range(_E):
        wm = wm + jnp.where(col_e == e, w[:, e][:, None], 0.0)
    h = h * wm

    part = jnp.dot(h, wp_ref[...], preferred_element_type=jnp.float32)

    @pl.when(j == 0)
    def _():
        o_ref[...] = part

    @pl.when(j > 0)
    def _():
        o_ref[...] = o_ref[...] + part


def _moe(x2, W_gate, W_fc, Wp, interpret=False):
    return pl.pallas_call(
        _moe_body,
        grid=(_NBLK,),
        in_specs=[
            pl.BlockSpec((_N, _C), lambda j: (0, 0)),
            pl.BlockSpec((_C, _E), lambda j: (0, 0)),
            pl.BlockSpec((_C, _BLK), lambda j: (0, j)),
            pl.BlockSpec((_BLK, _C), lambda j: (j, 0)),
        ],
        out_specs=pl.BlockSpec((_N, _C), lambda j: (0, 0)),
        out_shape=jax.ShapeDtypeStruct((_N, _C), jnp.float32),
        scratch_shapes=[pltpu.VMEM((_N, _E), jnp.float32)],
        compiler_params=pltpu.CompilerParams(
            dimension_semantics=("arbitrary",),
        ),
        interpret=interpret,
    )(x2, W_gate, W_fc, Wp)


def kernel(x, W_fc, W_proj, W_gate):
    Bx, Tx, Cx = x.shape
    x2 = x.reshape(Bx * Tx, Cx)
    Wp = W_proj.reshape(_H, _C, _E).transpose(0, 2, 1).reshape(_HE, _C)
    o = _moe(x2, W_gate, W_fc, Wp)
    return o.reshape(Bx, Tx, Cx)

# --- scband reference (transcript-rebuilt; emitter-appended) ---
"""Pipeline reference for scband-moe-31413390803110 (READ-ONLY COPY).

The authoritative reference and input builder live on the scoring server;
editing this copy changes nothing except your own understanding.
"""

import jax, jax.numpy as jnp
import numpy as np

B, T, C, H, E, K = 8, 4, 768, 2048, 8, 2
N_LAYER = 12

def setup_inputs(seed: int = 0) -> dict:
    key = jax.random.key(seed)
    ks = jax.random.split(key, 4)
    x = jax.random.normal(ks[0], (B, T, C), dtype=jnp.float32)
    W_fc = jax.random.normal(ks[1], (C, H * E), dtype=jnp.float32) * 0.02
    W_proj = jax.random.normal(ks[2], (H * E, C), dtype=jnp.float32) * (0.02 * (2 * N_LAYER) ** (-0.5))
    W_gate = jax.random.normal(ks[3], (C, E), dtype=jnp.float32) * 0.02
    return {"x": x, "W_fc": W_fc, "W_proj": W_proj, "W_gate": W_gate}

def reference(x, W_fc, W_proj, W_gate):
    Bx, Tx, Cx = x.shape
    # gate / router
    gate = jnp.einsum('btc,ce->bte', x, W_gate)            # (B,T,E)
    gate_probs = jax.nn.softmax(gate, axis=-1)             # computed as in original (unused downstream)
    gate_top_k_probs, gate_top_k_indices = jax.lax.top_k(gate, K)  # (B,T,K) each
    # per-token gather of expert up-projection weights
    c_fc_kernel = W_fc.reshape(Cx, H, E)
    c_fc_top_k = jnp.take(c_fc_kernel, gate_top_k_indices, axis=2)  # (C,H,B,T,K)
    c_fc_top_k = jnp.transpose(c_fc_top_k, (2, 3, 0, 1, 4))         # (B,T,C,H,K)
    h = jnp.einsum('btc,btchk->bthk', x, c_fc_top_k)       # (B,T,H,K)
    h = jax.nn.gelu(h, approximate=True)
    # per-token gather of expert down-projection weights
    c_proj_kernel = W_proj.reshape(H, Cx, E)
    c_proj_top_k = jnp.take(c_proj_kernel, gate_top_k_indices, axis=2)  # (H,C,B,T,K)
    c_proj_top_k = jnp.transpose(c_proj_top_k, (2, 3, 0, 1, 4))         # (B,T,H,C,K)
    o1 = jnp.einsum('bthk,bthck->btck', h, c_proj_top_k)   # (B,T,C,K)
    o = jnp.einsum('btck,btk->btc', o1, gate_top_k_probs)  # (B,T,C)
    return o

if __name__ == "__main__":
    import jax
    _d = setup_inputs()
    print(jax.jit(kernel)(*tuple(_d.values())))

</pallas_src>

<mosaic_0001>
module attributes {stable_mosaic.version = 14 : i64} {
  func.func @_moe_body(%arg0: i32, %arg1: memref<32x768xf32, #tpu.memory_space<vmem>>, %arg2: memref<768x8xf32, #tpu.memory_space<vmem>>, %arg3: memref<768x2048xf32, #tpu.memory_space<vmem>>, %arg4: memref<2048x768xf32, #tpu.memory_space<vmem>>, %arg5: memref<32x768xf32, #tpu.memory_space<vmem>>, %arg6: memref<32x8xf32, #tpu.memory_space<vmem>>) attributes {dimension_semantics = [#tpu.dimension_semantics<arbitrary>], iteration_bounds = array<i64: 8>, scalar_prefetch = 0 : i64, scratch_operands = 1 : i64, tpu.core_type = #tpu.core_type<tc>, window_params = [{pipeline_mode = #tpu.pipeline_mode<synchronous>, transform_indices = @transform_0, window_bounds = array<i64: 32, 768>}, {pipeline_mode = #tpu.pipeline_mode<synchronous>, transform_indices = @transform_1, window_bounds = array<i64: 768, 8>}, {transform_indices = @transform_2, window_bounds = array<i64: 768, 2048>}, {transform_indices = @transform_3, window_bounds = array<i64: 2048, 768>}, {pipeline_mode = #tpu.pipeline_mode<synchronous>, transform_indices = @transform_4, window_bounds = array<i64: 32, 768>}]} {
    %eq3A = arith.constant 0 : i32
    %eq3A_0 = arith.cmpi eq, %arg0, %eq3A : i32
    %convert_element_type3A = arith.extui %eq3A_0 : i1 to i32
    %cond3A = arith.constant 0 : i32
    %cond3A_1 = arith.cmpi ne, %convert_element_type3A, %cond3A : i32
    scf.if %cond3A_1 {
      %get3A_150 = arith.constant 0 : index
      %get3A_151 = arith.constant 0 : index
      %get3A_152 = vector.load %arg1[%get3A_150, %get3A_151] : memref<32x768xf32, #tpu.memory_space<vmem>>, vector<32x768xf32>
      %get3A_153 = arith.constant 0 : index
      %get3A_154 = arith.constant 0 : index
      %get3A_155 = vector.load %arg2[%get3A_153, %get3A_154] : memref<768x8xf32, #tpu.memory_space<vmem>>, vector<768x8xf32>
      %dot_general3A_156 = arith.constant dense<0.000000e+00> : vector<32x8xf32>
      %dot_general3A_157 = tpu.matmul %get3A_152, %get3A_155, %dot_general3A_156 {dimension_numbers = #tpu.dot_dimension_numbers<[1], [0], [0], [1], [0, 0, 1, 1], [], []>, transpose_lhs_hint = false} : vector<32x768xf32>, vector<768x8xf32>, vector<32x8xf32> -> vector<32x8xf32>
      %iota3A_158 = tpu.iota {dimensions = array<i32: 1>} : vector<32x8xi32>
      %argmax3A = tpu.reduce_index %dot_general3A_157 {axis = 1 : i32, kind = #tpu.reduction_kind<arg_max>} : vector<32x8xf32> -> vector<32xi32>
      %broadcast_in_dim3A_159 = vector.shape_cast %argmax3A : vector<32xi32> to vector<32x1xi32>
      %eq3A_160 = vector.broadcast %broadcast_in_dim3A_159 : vector<32x1xi32> to vector<32x8xi32>
      %eq3A_161 = arith.cmpi eq, %iota3A_158, %eq3A_160 : vector<32x8xi32>
      %reduce_max3A = arith.constant dense<0xFF800000> : vector<32xf32>
      %reduce_max3A_162 = vector.multi_reduction <maximumf>, %dot_general3A_157, %reduce_max3A [1] : vector<32x8xf32> to vector<32xf32>
      %broadcast_in_dim3A_163 = vector.shape_cast %reduce_max3A_162 : vector<32xf32> to vector<32x1xf32>
      %jit3A_164 = arith.constant 0xFF800000 : f32
      %broadcast_in_dim3A_165 = vector.broadcast %jit3A_164 : f32 to vector<32x8xf32>
      %select_n3A_166 = arith.select %eq3A_161, %broadcast_in_dim3A_165, %dot_general3A_157 : vector<32x8xi1>, vector<32x8xf32>
      %argmax3A_167 = tpu.reduce_index %select_n3A_166 {axis = 1 : i32, kind = #tpu.reduction_kind<arg_max>} : vector<32x8xf32> -> vector<32xi32>
      %broadcast_in_dim3A_168 = vector.shape_cast %argmax3A_167 : vector<32xi32> to vector<32x1xi32>
      %eq3A_169 = vector.broadcast %broadcast_in_dim3A_168 : vector<32x1xi32> to vector<32x8xi32>
      %eq3A_170 = arith.cmpi eq, %iota3A_158, %eq3A_169 : vector<32x8xi32>
      %reduce_max3A_171 = arith.constant dense<0xFF800000> : vector<32xf32>
      %reduce_max3A_172 = vector.multi_reduction <maximumf>, %select_n3A_166, %reduce_max3A_171 [1] : vector<32x8xf32> to vector<32xf32>
      %broadcast_in_dim3A_173 = vector.shape_cast %reduce_max3A_172 : vector<32xf32> to vector<32x1xf32>
      %jit3A_174 = arith.constant 0.000000e+00 : f32
      %broadcast_in_dim3A_175 = vector.shape_cast %broadcast_in_dim3A_163 : vector<32x1xf32> to vector<32x1xf32>
      %broadcast_in_dim3A_176 = vector.broadcast %broadcast_in_dim3A_175 : vector<32x1xf32> to vector<32x8xf32>
      %broadcast_in_dim3A_177 = vector.broadcast %jit3A_174 : f32 to vector<32x8xf32>
      %select_n3A_178 = arith.select %eq3A_161, %broadcast_in_dim3A_176, %broadcast_in_dim3A_177 : vector<32x8xi1>, vector<32x8xf32>
      %jit3A_179 = arith.constant 0.000000e+00 : f32
      %broadcast_in_dim3A_180 = vector.shape_cast %broadcast_in_dim3A_173 : vector<32x1xf32> to vector<32x1xf32>
      %broadcast_in_dim3A_181 = vector.broadcast %broadcast_in_dim3A_180 : vector<32x1xf32> to vector<32x8xf32>
      %broadcast_in_dim3A_182 = vector.broadcast %jit3A_179 : f32 to vector<32x8xf32>
      %select_n3A_183 = arith.select %eq3A_170, %broadcast_in_dim3A_181, %broadcast_in_dim3A_182 : vector<32x8xi1>, vector<32x8xf32>
      %add3A_184 = arith.addf %select_n3A_178, %select_n3A_183 : vector<32x8xf32>
      %swap3A = arith.constant 0 : index
      %swap3A_185 = arith.constant 0 : index
      %swap3A_186 = vector.load %arg6[%swap3A, %swap3A_185] : memref<32x8xf32, #tpu.memory_space<vmem>>, vector<32x8xf32>
      tpu.vector_store %arg6[%swap3A, %swap3A_185], %add3A_184 {strides = array<i32>} : memref<32x8xf32, #tpu.memory_space<vmem>>, vector<32x8xf32>,
    } else {
    }
    %get3A = arith.constant 0 : index
    %get3A_2 = arith.constant 0 : index
    %get3A_3 = vector.load %arg1[%get3A, %get3A_2] : memref<32x768xf32, #tpu.memory_space<vmem>>, vector<32x768xf32>
    %get3A_4 = arith.constant 0 : index
    %get3A_5 = arith.constant 0 : index
    %get3A_6 = vector.load %arg3[%get3A_4, %get3A_5] : memref<768x2048xf32, #tpu.memory_space<vmem>>, vector<768x2048xf32>
    %dot_general3A = arith.constant dense<0.000000e+00> : vector<32x2048xf32>
    %dot_general3A_7 = tpu.matmul %get3A_3, %get3A_6, %dot_general3A {dimension_numbers = #tpu.dot_dimension_numbers<[1], [0], [0], [1], [0, 0, 1, 1], [], []>, transpose_lhs_hint = false} : vector<32x768xf32>, vector<768x2048xf32>, vector<32x2048xf32> -> vector<32x2048xf32>
    %integer_pow3A = arith.mulf %dot_general3A_7, %dot_general3A_7 : vector<32x2048xf32>
    %integer_pow3A_8 = arith.mulf %dot_general3A_7, %integer_pow3A : vector<32x2048xf32>
    %mul3A = arith.constant 4.471500e-02 : f32
    %mul3A_9 = vector.broadcast %mul3A : f32 to vector<32x2048xf32>
    %mul3A_10 = arith.mulf %mul3A_9, %integer_pow3A_8 : vector<32x2048xf32>
    %add3A = arith.addf %dot_general3A_7, %mul3A_10 : vector<32x2048xf32>
    %mul3A_11 = arith.constant 0.797884583 : f32
    %mul3A_12 = vector.broadcast %mul3A_11 : f32 to vector<32x2048xf32>
    %mul3A_13 = arith.mulf %mul3A_12, %add3A : vector<32x2048xf32>
    %tanh3A = math.tanh %mul3A_13 : vector<32x2048xf32>
    %add3A_14 = arith.constant 1.000000e+00 : f32
    %add3A_15 = vector.broadcast %add3A_14 : f32 to vector<32x2048xf32>
    %add3A_16 = arith.addf %add3A_15, %tanh3A : vector<32x2048xf32>
    %mul3A_17 = arith.constant 5.000000e-01 : f32
    %mul3A_18 = vector.broadcast %mul3A_17 : f32 to vector<32x2048xf32>
    %mul3A_19 = arith.mulf %mul3A_18, %add3A_16 : vector<32x2048xf32>
    %mul3A_20 = arith.mulf %dot_general3A_7, %mul3A_19 : vector<32x2048xf32>
    %get3A_21 = arith.constant 0 : index
    %get3A_22 = arith.constant 0 : index
    %get3A_23 = vector.load %arg6[%get3A_21, %get3A_22] : memref<32x8xf32, #tpu.memory_space<vmem>>, vector<32x8xf32>
    %iota3A = tpu.iota {dimensions = array<i32: 1>} : vector<32x2048xi32>
    %jit3A = arith.constant 8 : i32
    %eq3A_24 = arith.constant 0 : i32
    %eq3A_25 = arith.cmpi eq, %jit3A, %eq3A_24 : i32
    %jit3A_26 = arith.constant 1 : i32
    %select_n3A = arith.select %eq3A_25, %jit3A_26, %jit3A : i32
    %rem3A = vector.broadcast %select_n3A : i32 to vector<32x2048xi32>
    %rem3A_27 = arith.remsi %iota3A, %rem3A : vector<32x2048xi32>
    %ne3A = arith.constant 0 : i32
    %ne3A_28 = vector.broadcast %ne3A : i32 to vector<32x2048xi32>
    %ne3A_29 = arith.cmpi ne, %rem3A_27, %ne3A_28 : vector<32x2048xi32>
    %lt3A = arith.constant 0 : i32
    %lt3A_30 = vector.broadcast %lt3A : i32 to vector<32x2048xi32>
    %lt3A_31 = arith.cmpi slt, %rem3A_27, %lt3A_30 : vector<32x2048xi32>
    %lt3A_32 = arith.constant 0 : i32
    %lt3A_33 = arith.cmpi slt, %select_n3A, %lt3A_32 : i32
    %ne3A_34 = vector.broadcast %lt3A_33 : i1 to vector<32x2048xi1>
    %ne3A_35 = vector.broadcast %ne3A_34 : vector<32x2048xi1> to vector<32x2048xi1>
    %ne3A_36 = arith.xori %lt3A_31, %ne3A_35 : vector<32x2048xi1>
    %and3A = arith.andi %ne3A_36, %ne3A_29 : vector<32x2048xi1>
    %add3A_37 = vector.broadcast %select_n3A : i32 to vector<32x2048xi32>
    %add3A_38 = arith.addi %rem3A_27, %add3A_37 : vector<32x2048xi32>
    %select_n3A_39 = arith.select %and3A, %add3A_38, %rem3A_27 : vector<32x2048xi1>, vector<32x2048xi32>
    %broadcast_in_dim3A = arith.constant 0.000000e+00 : f32
    %broadcast_in_dim3A_40 = vector.broadcast %broadcast_in_dim3A : f32 to vector<32x2048xf32>
    %eq3A_41 = arith.constant 0 : i32
    %eq3A_42 = vector.broadcast %eq3A_41 : i32 to vector<32x2048xi32>
    %eq3A_43 = arith.cmpi eq, %select_n3A_39, %eq3A_42 : vector<32x2048xi32>
    %slice3A = vector.extract_strided_slice %get3A_23 {offsets = [0, 0], sizes = [32, 1], strides = [1, 1]} : vector<32x8xf32> to vector<32x1xf32>
    %squeeze3A = vector.shape_cast %slice3A : vector<32x1xf32> to vector<32xf32>
    %broadcast_in_dim3A_44 = vector.shape_cast %squeeze3A : vector<32xf32> to vector<32x1xf32>
    %jit3A_45 = arith.constant 0.000000e+00 : f32
    %broadcast_in_dim3A_46 = vector.shape_cast %broadcast_in_dim3A_44 : vector<32x1xf32> to vector<32x1xf32>
    %broadcast_in_dim3A_47 = vector.broadcast %broadcast_in_dim3A_46 : vector<32x1xf32> to vector<32x2048xf32>
    %broadcast_in_dim3A_48 = vector.broadcast %jit3A_45 : f32 to vector<32x2048xf32>
    %select_n3A_49 = arith.select %eq3A_43, %broadcast_in_dim3A_47, %broadcast_in_dim3A_48 : vector<32x2048xi1>, vector<32x2048xf32>
    %add3A_50 = arith.addf %broadcast_in_dim3A_40, %select_n3A_49 : vector<32x2048xf32>
    %eq3A_51 = arith.constant 1 : i32
    %eq3A_52 = vector.broadcast %eq3A_51 : i32 to vector<32x2048xi32>
    %eq3A_53 = arith.cmpi eq, %select_n3A_39, %eq3A_52 : vector<32x2048xi32>
    %slice3A_54 = vector.extract_strided_slice %get3A_23 {offsets = [0, 1], sizes = [32, 1], strides = [1, 1]} : vector<32x8xf32> to vector<32x1xf32>
    %squeeze3A_55 = vector.shape_cast %slice3A_54 : vector<32x1xf32> to vector<32xf32>
    %broadcast_in_dim3A_56 = vector.shape_cast %squeeze3A_55 : vector<32xf32> to vector<32x1xf32>
    %jit3A_57 = arith.constant 0.000000e+00 : f32
    %broadcast_in_dim3A_58 = vector.shape_cast %broadcast_in_dim3A_56 : vector<32x1xf32> to vector<32x1xf32>
    %broadcast_in_dim3A_59 = vector.broadcast %broadcast_in_dim3A_58 : vector<32x1xf32> to vector<32x2048xf32>
    %broadcast_in_dim3A_60 = vector.broadcast %jit3A_57 : f32 to vector<32x2048xf32>
    %select_n3A_61 = arith.select %eq3A_53, %broadcast_in_dim3A_59, %broadcast_in_dim3A_60 : vector<32x2048xi1>, vector<32x2048xf32>
    %add3A_62 = arith.addf %add3A_50, %select_n3A_61 : vector<32x2048xf32>
    %eq3A_63 = arith.constant 2 : i32
    %eq3A_64 = vector.broadcast %eq3A_63 : i32 to vector<32x2048xi32>
    %eq3A_65 = arith.cmpi eq, %select_n3A_39, %eq3A_64 : vector<32x2048xi32>
    %slice3A_66 = vector.extract_strided_slice %get3A_23 {offsets = [0, 2], sizes = [32, 1], strides = [1, 1]} : vector<32x8xf32> to vector<32x1xf32>
    %squeeze3A_67 = vector.shape_cast %slice3A_66 : vector<32x1xf32> to vector<32xf32>
    %broadcast_in_dim3A_68 = vector.shape_cast %squeeze3A_67 : vector<32xf32> to vector<32x1xf32>
    %jit3A_69 = arith.constant 0.000000e+00 : f32
    %broadcast_in_dim3A_70 = vector.shape_cast %broadcast_in_dim3A_68 : vector<32x1xf32> to vector<32x1xf32>
    %broadcast_in_dim3A_71 = vector.broadcast %broadcast_in_dim3A_70 : vector<32x1xf32> to vector<32x2048xf32>
    %broadcast_in_dim3A_72 = vector.broadcast %jit3A_69 : f32 to vector<32x2048xf32>
    %select_n3A_73 = arith.select %eq3A_65, %broadcast_in_dim3A_71, %broadcast_in_dim3A_72 : vector<32x2048xi1>, vector<32x2048xf32>
    %add3A_74 = arith.addf %add3A_62, %select_n3A_73 : vector<32x2048xf32>
    %eq3A_75 = arith.constant 3 : i32
    %eq3A_76 = vector.broadcast %eq3A_75 : i32 to vector<32x2048xi32>
    %eq3A_77 = arith.cmpi eq, %select_n3A_39, %eq3A_76 : vector<32x2048xi32>
    %slice3A_78 = vector.extract_strided_slice %get3A_23 {offsets = [0, 3], sizes = [32, 1], strides = [1, 1]} : vector<32x8xf32> to vector<32x1xf32>
    %squeeze3A_79 = vector.shape_cast %slice3A_78 : vector<32x1xf32> to vector<32xf32>
    %broadcast_in_dim3A_80 = vector.shape_cast %squeeze3A_79 : vector<32xf32> to vector<32x1xf32>
    %jit3A_81 = arith.constant 0.000000e+00 : f32
    %broadcast_in_dim3A_82 = vector.shape_cast %broadcast_in_dim3A_80 : vector<32x1xf32> to vector<32x1xf32>
    %broadcast_in_dim3A_83 = vector.broadcast %broadcast_in_dim3A_82 : vector<32x1xf32> to vector<32x2048xf32>
    %broadcast_in_dim3A_84 = vector.broadcast %jit3A_81 : f32 to vector<32x2048xf32>
    %select_n3A_85 = arith.select %eq3A_77, %broadcast_in_dim3A_83, %broadcast_in_dim3A_84 : vector<32x2048xi1>, vector<32x2048xf32>
    %add3A_86 = arith.addf %add3A_74, %select_n3A_85 : vector<32x2048xf32>
    %eq3A_87 = arith.constant 4 : i32
    %eq3A_88 = vector.broadcast %eq3A_87 : i32 to vector<32x2048xi32>
    %eq3A_89 = arith.cmpi eq, %select_n3A_39, %eq3A_88 : vector<32x2048xi32>
    %slice3A_90 = vector.extract_strided_slice %get3A_23 {offsets = [0, 4], sizes = [32, 1], strides = [1, 1]} : vector<32x8xf32> to vector<32x1xf32>
    %squeeze3A_91 = vector.shape_cast %slice3A_90 : vector<32x1xf32> to vector<32xf32>
    %broadcast_in_dim3A_92 = vector.shape_cast %squeeze3A_91 : vector<32xf32> to vector<32x1xf32>
    %jit3A_93 = arith.constant 0.000000e+00 : f32
    %broadcast_in_dim3A_94 = vector.shape_cast %broadcast_in_dim3A_92 : vector<32x1xf32> to vector<32x1xf32>
    %broadcast_in_dim3A_95 = vector.broadcast %broadcast_in_dim3A_94 : vector<32x1xf32> to vector<32x2048xf32>
    %broadcast_in_dim3A_96 = vector.broadcast %jit3A_93 : f32 to vector<32x2048xf32>
    %select_n3A_97 = arith.select %eq3A_89, %broadcast_in_dim3A_95, %broadcast_in_dim3A_96 : vector<32x2048xi1>, vector<32x2048xf32>
    %add3A_98 = arith.addf %add3A_86, %select_n3A_97 : vector<32x2048xf32>
    %eq3A_99 = arith.constant 5 : i32
    %eq3A_100 = vector.broadcast %eq3A_99 : i32 to vector<32x2048xi32>
    %eq3A_101 = arith.cmpi eq, %select_n3A_39, %eq3A_100 : vector<32x2048xi32>
    %slice3A_102 = vector.extract_strided_slice %get3A_23 {offsets = [0, 5], sizes = [32, 1], strides = [1, 1]} : vector<32x8xf32> to vector<32x1xf32>
    %squeeze3A_103 = vector.shape_cast %slice3A_102 : vector<32x1xf32> to vector<32xf32>
    %broadcast_in_dim3A_104 = vector.shape_cast %squeeze3A_103 : vector<32xf32> to vector<32x1xf32>
    %jit3A_105 = arith.constant 0.000000e+00 : f32
    %broadcast_in_dim3A_106 = vector.shape_cast %broadcast_in_dim3A_104 : vector<32x1xf32> to vector<32x1xf32>
    %broadcast_in_dim3A_107 = vector.broadcast %broadcast_in_dim3A_106 : vector<32x1xf32> to vector<32x2048xf32>
    %broadcast_in_dim3A_108 = vector.broadcast %jit3A_105 : f32 to vector<32x2048xf32>
    %select_n3A_109 = arith.select %eq3A_101, %broadcast_in_dim3A_107, %broadcast_in_dim3A_108 : vector<32x2048xi1>, vector<32x2048xf32>
    %add3A_110 = arith.addf %add3A_98, %select_n3A_109 : vector<32x2048xf32>
    %eq3A_111 = arith.constant 6 : i32
    %eq3A_112 = vector.broadcast %eq3A_111 : i32 to vector<32x2048xi32>
    %eq3A_113 = arith.cmpi eq, %select_n3A_39, %eq3A_112 : vector<32x2048xi32>
    %slice3A_114 = vector.extract_strided_slice %get3A_23 {offsets = [0, 6], sizes = [32, 1], strides = [1, 1]} : vector<32x8xf32> to vector<32x1xf32>
    %squeeze3A_115 = vector.shape_cast %slice3A_114 : vector<32x1xf32> to vector<32xf32>
    %broadcast_in_dim3A_116 = vector.shape_cast %squeeze3A_115 : vector<32xf32> to vector<32x1xf32>
    %jit3A_117 = arith.constant 0.000000e+00 : f32
    %broadcast_in_dim3A_118 = vector.shape_cast %broadcast_in_dim3A_116 : vector<32x1xf32> to vector<32x1xf32>
    %broadcast_in_dim3A_119 = vector.broadcast %broadcast_in_dim3A_118 : vector<32x1xf32> to vector<32x2048xf32>
    %broadcast_in_dim3A_120 = vector.broadcast %jit3A_117 : f32 to vector<32x2048xf32>
    %select_n3A_121 = arith.select %eq3A_113, %broadcast_in_dim3A_119, %broadcast_in_dim3A_120 : vector<32x2048xi1>, vector<32x2048xf32>
    %add3A_122 = arith.addf %add3A_110, %select_n3A_121 : vector<32x2048xf32>
    %eq3A_123 = arith.constant 7 : i32
    %eq3A_124 = vector.broadcast %eq3A_123 : i32 to vector<32x2048xi32>
    %eq3A_125 = arith.cmpi eq, %select_n3A_39, %eq3A_124 : vector<32x2048xi32>
    %slice3A_126 = vector.extract_strided_slice %get3A_23 {offsets = [0, 7], sizes = [32, 1], strides = [1, 1]} : vector<32x8xf32> to vector<32x1xf32>
    %squeeze3A_127 = vector.shape_cast %slice3A_126 : vector<32x1xf32> to vector<32xf32>
    %broadcast_in_dim3A_128 = vector.shape_cast %squeeze3A_127 : vector<32xf32> to vector<32x1xf32>
    %jit3A_129 = arith.constant 0.000000e+00 : f32
    %broadcast_in_dim3A_130 = vector.shape_cast %broadcast_in_dim3A_128 : vector<32x1xf32> to vector<32x1xf32>
    %broadcast_in_dim3A_131 = vector.broadcast %broadcast_in_dim3A_130 : vector<32x1xf32> to vector<32x2048xf32>
    %broadcast_in_dim3A_132 = vector.broadcast %jit3A_129 : f32 to vector<32x2048xf32>
    %select_n3A_133 = arith.select %eq3A_125, %broadcast_in_dim3A_131, %broadcast_in_dim3A_132 : vector<32x2048xi1>, vector<32x2048xf32>
    %add3A_134 = arith.addf %add3A_122, %select_n3A_133 : vector<32x2048xf32>
    %mul3A_135 = arith.mulf %mul3A_20, %add3A_134 : vector<32x2048xf32>
    %get3A_136 = arith.constant 0 : index
    %get3A_137 = arith.constant 0 : index
    %get3A_138 = vector.load %arg4[%get3A_136, %get3A_137] : memref<2048x768xf32, #tpu.memory_space<vmem>>, vector<2048x768xf32>
    %dot_general3A_139 = arith.constant dense<0.000000e+00> : vector<32x768xf32>
    %dot_general3A_140 = tpu.matmul %mul3A_135, %get3A_138, %dot_general3A_139 {dimension_numbers = #tpu.dot_dimension_numbers<[1], [0], [0], [1], [0, 0, 1, 1], [], []>, transpose_lhs_hint = false} : vector<32x2048xf32>, vector<2048x768xf32>, vector<32x768xf32> -> vector<32x768xf32>
    %eq3A_141 = arith.constant 0 : i32
    %eq3A_142 = arith.cmpi eq, %arg0, %eq3A_141 : i32
    %convert_element_type3A_143 = arith.extui %eq3A_142 : i1 to i32
    %cond3A_144 = arith.constant 0 : i32
    %cond3A_145 = arith.cmpi ne, %convert_element_type3A_143, %cond3A_144 : i32
    scf.if %cond3A_145 {
      %swap3A = arith.constant 0 : index
      %swap3A_150 = arith.constant 0 : index
      %swap3A_151 = vector.load %arg5[%swap3A, %swap3A_150] : memref<32x768xf32, #tpu.memory_space<vmem>>, vector<32x768xf32>
      tpu.vector_store %arg5[%swap3A, %swap3A_150], %dot_general3A_140 {strides = array<i32>} : memref<32x768xf32, #tpu.memory_space<vmem>>, vector<32x768xf32>,
    } else {
    }
    %gt3A = arith.constant 0 : i32
    %gt3A_146 = arith.cmpi sgt, %arg0, %gt3A : i32
    %convert_element_type3A_147 = arith.extui %gt3A_146 : i1 to i32
    %cond3A_148 = arith.constant 0 : i32
    %cond3A_149 = arith.cmpi ne, %convert_element_type3A_147, %cond3A_148 : i32
    scf.if %cond3A_149 {
      %get3A_150 = arith.constant 0 : index
      %get3A_151 = arith.constant 0 : index
      %get3A_152 = vector.load %arg5[%get3A_150, %get3A_151] : memref<32x768xf32, #tpu.memory_space<vmem>>, vector<32x768xf32>
      %add3A_153 = arith.addf %get3A_152, %dot_general3A_140 : vector<32x768xf32>
      %swap3A = arith.constant 0 : index
      %swap3A_154 = arith.constant 0 : index
      %swap3A_155 = vector.load %arg5[%swap3A, %swap3A_154] : memref<32x768xf32, #tpu.memory_space<vmem>>, vector<32x768xf32>
      tpu.vector_store %arg5[%swap3A, %swap3A_154], %add3A_153 {strides = array<i32>} : memref<32x768xf32, #tpu.memory_space<vmem>>, vector<32x768xf32>,
    } else {
    }
    return
  }
  func.func @transform_0(%arg0: i32) -> (i32, i32) {
    %c0_i32 = arith.constant 0 : i32
    %c0_i32_0 = arith.constant 0 : i32
    %c0_i32_1 = arith.constant 0 : i32
    return %c0_i32, %c0_i32_0 : i32, i32
  }
  func.func @transform_1(%arg0: i32) -> (i32, i32) {
    %c0_i32 = arith.constant 0 : i32
    %c0_i32_0 = arith.constant 0 : i32
    %c0_i32_1 = arith.constant 0 : i32
    return %c0_i32, %c0_i32_0 : i32, i32
  }
  func.func @transform_2(%arg0: i32) -> (i32, i32) {
    %c0_i32 = arith.constant 0 : i32
    %c0_i32_0 = arith.constant 0 : i32
    return %c0_i32, %arg0 : i32, i32
  }
  func.func @transform_3(%arg0: i32) -> (i32, i32) {
    %c0_i32 = arith.constant 0 : i32
    %c0_i32_0 = arith.constant 0 : i32
    return %arg0, %c0_i32 : i32, i32
  }
  func.func @transform_4(%arg0: i32) -> (i32, i32) {
    %c0_i32 = arith.constant 0 : i32
    %c0_i32_0 = arith.constant 0 : i32
    %c0_i32_1 = arith.constant 0 : i32
    return %c0_i32, %c0_i32_0 : i32, i32
  }
}

</mosaic_0001>

<sc_bundles>
// kernel: sparse-core-data-format-call.cloned.1.call-start
scs
called_computation_lowered:
.L_overlay_start_0:
0x0: {  	s1 =	sld [smem:$0x3FD9]  }
0x1: {  	s2 =	sld [smem:$0x3FFE];
	_ =	sdelay $0x1  }
0x2: {  	s3 =	srdreg.scid  }
0x3: {  	s0 =	sand.u32 $0x1, s3  }
0x4: {  	s17 =	sshll.u32 s0, $0xA;
	s1 =	sadd.s32 s2, s1  }
0x5: {  	s1 =	sadd.s32 s1, s17  }
0x6: {  	[smem:$0x3FC4] =	sst s1  }
0x7: {  	_ = 	snop  }
0x8: {  	(tm) =	ssettm $0x1  }
0x9: {  	s18 =	sld [smem:$0x3FFB];
	_ =	sdelay $0x3  }
0xa: {  	_ =	strace s18  }
0xb: {  	s1 =	sld [smem:$0x3FFC];
	_ =	sdelay $0x3  }
0xc: {  	_ =	strace s1  }
0xd: {  	s1 =	sld [smem:$0x3FFD];
	_ =	sdelay $0x3  }
0xe: {  	_ =	strace s1  }
0xf: {  	_ =	strace $0x8FFFFFFF  }
0x10: {  	s19 =	sld [smem:$0x3FDB];
	_ =	sdelay $0x1  }
0x11: {  	s20 =	simm.s32 $_scs_section_size  }
0x12: {  	s4 =	simm.s32 $_size__tile_overlayer_lowered;
	s5 =	simm.s32 $_tile_overlayer_lowered  }
0x13: {  	s23 =	simm.s32 $0x1BFF;
	s22 =	sshll.u32 s5, $0x1;
	s1 =	sadd.s32 s20, s19  }
0x14: {  	s6 =	simm.s32 $0x0;
	s21 =	sshll.u32 s4, $0x1;
	s4 =	sadd.s32 s22, s1  }
0x15: {  	[timem:s6], [sflag:s23] =	dma.local [hbm:s4], s21  }
0x16: {  	_ =	swait.ge [sflag:s23], s21  }
0x17: {  	s2 =	ssub.s32 $0x0, s21;
	[sflag:s23] =	ssyncset.done $0x0  }
0x18: {  	[sflag:s23] =	ssyncadd.s32 s2;
	_ =	sdelay $0x1  }
0x19: {  	s24 =	simm.s32 $0x1B8B  }
0x1a: {  	_ =	swait.ge [sflag:s24], $0x1  }
0x1b: {  	[sflag:s24] =	ssyncset.done $0x0  }
0x1c: {  	s26 =	simm.s32 $0x1B8E;
	s25 =	sld [smem:$0x3FFE];
	[sflag:s24] =	ssyncadd.s32 $0xFFFFFFFF  }
0x1d: {  	s27 =	simm.s32 $execute0_lowered;
	[smem:$0x3FD2] =	sst s26  }
0x1e: {  	s4 =	sshll.u32 s27, $0x1;
	_ =	strace $0x80000046;
	[dreg:$0x1] =	wrdreg $0xFFFFFFFF  }
0x1f: {  	s28 =	simm.s32 $_size_execute0_lowered;
	s1 =	sadd.s32 s1, s4;
	[dreg:$0x0] =	wrdreg $0x0  }
0x20: {  	s4 =	sshll.u32 s28, $0x1;
	[dreg:$0x2] =	wrdreg s1  }
0x21: {  	[dreg:$0x3] =	wrdreg s4  }
0x22: {  	[dreg:$0x4] =	wrdreg $0xC0  }
0x23: {  	_ =	task [dreg:s6], $0x5FFFF  }
0x24: {  	[dreg:$0x1] =	wrdreg $0xFFFFFFFF  }
0x25: {  	[dreg:$0x0] =	wrdreg $0x60  }
0x26: {  	[dreg:$0x2] =	wrdreg s25  }
0x27: {  	[dreg:$0x3] =	wrdreg $0x9  }
0x28: {  	_ =	task.clear_ibuf [dreg:s6], $0x4FFFF;
	_ =	strace $0x90000046  }
0x29: {  	s29 =	simm.s32 $0x9;
	_ =	strace $0x80000048  }
0x2a: {  	_ =	swait.ge [sflag:s29], $0x1  }
0x2b: {  	[sflag:s29] =	ssyncadd.s32 $0xFFFFFFFF  }
0x2c: {  	_ =	strace $0x90000048  }
0x2d: {  	_ =	sfence  }
0x2e: {  	s30 =	sld [smem:$0x0];
	_ =	sdelay $0x2  }
0x2f: {  	s31 =	sshll.u32 s3, $0xD;
	s3 =	sshrl.u32 s3, $0x2  }
0x30: {  	s2 =	sand.u32 $0x4000, s31;
	s1 =	sadd.s32 s3, s30  }
0x31: {  	s0 =	sor.u32 s2, s0;
	s1 =	sshll.u32 s1, $0x11  }
0x32: {  	s0 =	sor.u32 s1, s0  }
0x33: {  	s0 =	sadd.s32 $0x8F2B, s0  }
0x34: {  	[sflag:s0] =	ssyncadd.remote.s32 $0x1  }
0x35: {  	_ =	sfence.sel $0xFFFF  }
0x36: {  	[dreg:$0x0] =	wrdreg $0xFFFFFFFF;
	(pc) =	sbr.abs _section_cstart, $3  }
0x37: {  	[dreg:$0x1] =	wrdreg $0xFFFFFFFF  }
0x38: {  	_ =	task.clear_ibuf [dreg:s6], $0x2FFFF;
	_ =	strace $0x9FFFFFFF  }
0x39: {  	(tm) =	ssettm $0x7FFFFFFF  }
tec
execute0_lowered:
.L_overlay_start_1:
0x0: {  	(tag) =	ssettag $0x1  }
0x1: {  	s15 =	rddreg [dreg:$0x0]  }
0x2: {  	s0 =	srdreg.scid;
	s4 =	sadd.s32 $0x800, s15  }
0x3: {  	_ =	strace $0x80000047;
	s16 =	sadd.s32 $0x1800800, s15;
	[dreg:$0x2] =	wrdreg s4  }
0x4: {  	s1 =	stileid.u32;
	s17 =	sadd.s32 $0x3800, s15;
	[dreg:$0x3] =	wrdreg s16  }
0x5: {  	s5 =	simm.s32 $0x2;
	s18 =	sadd.s32 $0x6800, s15;
	[dreg:$0x4] =	wrdreg s17  }
0x6: {  	s30 =	simm.s32 $0x0;
	s19 =	sadd.s32 $0x9800, s15;
	[dreg:$0x5] =	wrdreg s18  }
0x7: {  	s29 =	simm.s32 $0x0;
	s20 =	sadd.s32 $0xC800, s15;
	[dreg:$0x6] =	wrdreg s19  }
0x8: {  	s28 =	simm.s32 $0x0;
	s21 =	sadd.s32 $0xF800, s15;
	[dreg:$0x7] =	wrdreg s20  }
0x9: {  	s0 =	sshll.u32 s0, $0x4;
	s22 =	sadd.s32 $0x12800, s15;
	[dreg:$0x8] =	wrdreg s21  }
0xa: {  	s23 =	sadd.s32 $0x15800, s15;
	s24 =	sadd.s32 $0x18800, s15;
	[dreg:$0x9] =	wrdreg s22  }
0xb: {  	s25 =	sadd.s32 $0x1B800, s15;
	s0 =	sand.u32 $0x10, s0;
	[dreg:$0xa] =	wrdreg s23  }
0xc: {  	s26 =	sadd.s32 $0x1E800, s15;
	[dreg:$0xb] =	wrdreg s24;
	s0 =	sor.u32 s1, s0  }
0xd: {  	s31 =	sadd.s32 $0x21800, s15;
	[dreg:$0xc] =	wrdreg s25;
	s2 =	sshll.u32 s0, $0x4  }
0xe: {  	s4 =	simm.s32 $0x1;
	[dreg:$0xd] =	wrdreg s26;
	s0 =	ssub.s32 $0x800, s2  }
0xf: {  	[dreg:$0xe] =	wrdreg s31;
	s18 =	sadd.s32 $0x24800, s15;
	s3 =	sand.u32 $0x1F0, s0  }
0x10: {  	s19 =	sadd.s32 $0x27800, s15;
	p0 =	sne.s32 s3, $0x0;
	s3 =	simm.s32 $0x1  }
.Ltmp0:
0x11: {  	s0 =	sshrl.u32 s0, $0x9;
	s3 =	simm.s32 @!p0 $0x0;
	(pc) =	sbr.rel .LBB1_1-.Ltmp0, $4  }
0x12: {  	s20 =	sadd.s32 $0x2A800, s15;
	s21 =	sadd.s32 $0x2D800, s15;
	s0 =	sadd.s32 s3, s0  }
0x13: {  	s23 =	simm.s32 $0x8;
	[sflag:s4] =	ssyncpa.u1 $0x0;
	s6 =	smul.u32 $0x6, s0  }
0x14: {  	s24 =	simm.s32 $0x80;
	s26 =	simm.s32 $0x0;
	[sflag:s5] =	ssyncpa.u1 $0x0  }
0x15: {  	s27 =	smov.u32 s2;
	p0 =	por $0x0, $0x0;
	s22 =	sor.u32 $0x1, s6  }
.LBB1_9:
0x16: {  	s0 =	sadd.s32 $0x80, s26  }
0x17: {  	s3 =	sadd.s32 $0x200, s27;
	s5 =	smov.u32 s27;
	p2 =	sgt.s32 s0, $0x2FF  }
0x18: {  	s5 =	smov.u32 @p2 s3  }
0x19: {  	s0 =	simm.s32 @p2 $0x0;
	p2 =	sgt.s32 s5, $0x7FF  }
0x1a: {  	s5 =	smov.u32 @p2 s2;
	p2 =	sne.s32 s28, s22  }
.Ltmp1:
0x1b: {  	p1 =	slt.u32 s28, $0x2;
	(pc) =	sbr.rel @!p2 .LBB1_10-.Ltmp1, $4  }
0x1c: {  	s1 =	simm.s32 @!p1 $0x2  }
0x1d: {  	s30 =	smov.u32 s26;
	s29 =	smov.u32 s27;
	_ =	swait.ge @!p1 [sflag:s1], $0x4000  }
0x1e: {  	p0 =	por !p0, !p0;
	[sflag:s1] =	ssyncset.done @!p1 $0x0;
	s26 =	smov.u32 s0  }
0x1f: {  	s28 =	sadd.s32 $0x1, s28;
	[sflag:s1] =	ssyncadd.s32 @!p1 $0xFFFFC000;
	s27 =	smov.u32 s5  }
.LBB1_1:
0x20: {  	p1 =	sge.u32 s28, s6  }
.Ltmp2:
0x21: {  	_ = 	snop;
	(pc) =	sbr.rel @p1 .LBB1_3-.Ltmp2, $1  }
0x22: {  	_ =	sdelay $0x3  }
0x23: {  	s1 =	sand.u32 $0x1FFFFFF, s26  }
0x24: {  	s0 =	smulhi.u32 $0xAAAAAB, s1;
	_ =	sdelay $0x1  }
0x25: {  	s0 =	sshrl.u32 s0, $0x1  }
0x26: {  	s3 =	smul.u32 $0x300, s0  }
0x27: {  	s0 =	smul.u32 $0x3000, s27  }
0x28: {  	s5 =	sxor.u32 $0xFFFFFFFF, s28;
	s16 =	rddreg [dreg:$0x2];
	s1 =	ssub.s32 s1, s3  }
0x29: {  	s15 =	sshll.u32 s5, $0xE;
	s5 =	sadd.s32 s16, s0;
	s1 =	sshll.u32 s1, $0x4  }
0x2a: {  	s17 =	rddreg [dreg:$0x4];
	s3 =	sand.u32 $0x4000, s15;
	s5 =	sadd.s32 s1, s5  }
0x2b: {  	[tilespmem:s3], [sflag:$0x1] =	stream.strided.gather [hbm4b:s5+s23], $0x400, s24, s23, $0x38;
	[tilespmem:$0x10100] =	vst v63  }
0x2c: {  	s5 =	sadd.s32 s0, s17  }
0x2d: {  	s25 =	rddreg [dreg:$0x5];
	s7 =	sor.u32 $0x400, s3;
	s5 =	sadd.s32 s1, s5  }
0x2e: {  	[tilespmem:s7], [sflag:$0x1] =	stream.strided.gather [hbm4b:s5+s23], $0x400, s24, s23, $0x38;
	[tilespmem:$0x10100] =	vst v63  }
0x2f: {  	s5 =	sadd.s32 s0, s25  }
0x30: {  	s8 =	rddreg [dreg:$0x6];
	s31 =	sor.u32 $0x800, s3;
	s5 =	sadd.s32 s1, s5  }
0x31: {  	[tilespmem:s31], [sflag:$0x1] =	stream.strided.gather [hbm4b:s5+s23], $0x400, s24, s23, $0x38;
	[tilespmem:$0x10100] =	vst v63  }
0x32: {  	s5 =	sadd.s32 s0, s8  }
0x33: {  	s10 =	rddreg [dreg:$0x7];
	s9 =	sor.u32 $0xC00, s3;
	s5 =	sadd.s32 s1, s5  }
0x34: {  	[tilespmem:s9], [sflag:$0x1] =	stream.strided.gather [hbm4b:s5+s23], $0x400, s24, s23, $0x38;
	[tilespmem:$0x10100] =	vst v63  }
0x35: {  	s5 =	sadd.s32 s0, s10  }
0x36: {  	s12 =	rddreg [dreg:$0x8];
	s11 =	sor.u32 $0x1000, s3;
	s5 =	sadd.s32 s1, s5  }
0x37: {  	[tilespmem:s11], [sflag:$0x1] =	stream.strided.gather [hbm4b:s5+s23], $0x400, s24, s23, $0x38;
	[tilespmem:$0x10100] =	vst v63  }
0x38: {  	s5 =	sadd.s32 s0, s12  }
0x39: {  	s14 =	rddreg [dreg:$0x9];
	s13 =	sor.u32 $0x1400, s3;
	s5 =	sadd.s32 s1, s5  }
0x3a: {  	[tilespmem:s13], [sflag:$0x1] =	stream.strided.gather [hbm4b:s5+s23], $0x400, s24, s23, $0x38;
	[tilespmem:$0x10100] =	vst v63  }
0x3b: {  	s5 =	sadd.s32 s0, s14  }
0x3c: {  	s16 =	rddreg [dreg:$0xa];
	s15 =	sor.u32 $0x1800, s3;
	s5 =	sadd.s32 s1, s5  }
0x3d: {  	[tilespmem:s15], [sflag:$0x1] =	stream.strided.gather [hbm4b:s5+s23], $0x400, s24, s23, $0x38;
	[tilespmem:$0x10100] =	vst v63  }
0x3e: {  	s5 =	sadd.s32 s0, s16  }
0x3f: {  	s17 =	sor.u32 $0x1C00, s3;
	s25 =	rddreg [dreg:$0xb];
	s5 =	sadd.s32 s1, s5  }
0x40: {  	[tilespmem:s17], [sflag:$0x1] =	stream.strided.gather [hbm4b:s5+s23], $0x400, s24, s23, $0x38;
	[tilespmem:$0x10100] =	vst v63  }
0x41: {  	s5 =	sadd.s32 s0, s25  }
0x42: {  	s7 =	rddreg [dreg:$0xc];
	s31 =	sor.u32 $0x2000, s3;
	s5 =	sadd.s32 s1, s5  }
0x43: {  	[tilespmem:s31], [sflag:$0x1] =	stream.strided.gather [hbm4b:s5+s23], $0x400, s24, s23, $0x38;
	[tilespmem:$0x10100] =	vst v63  }
0x44: {  	s5 =	sadd.s32 s0, s7  }
0x45: {  	s8 =	sor.u32 $0x2400, s3;
	s9 =	rddreg [dreg:$0xd];
	s5 =	sadd.s32 s1, s5  }
0x46: {  	[tilespmem:s8], [sflag:$0x1] =	stream.strided.gather [hbm4b:s5+s23], $0x400, s24, s23, $0x38;
	[tilespmem:$0x10100] =	vst v63  }
0x47: {  	s5 =	sadd.s32 s0, s9  }
0x48: {  	s10 =	sor.u32 $0x2800, s3;
	s11 =	rddreg [dreg:$0xe];
	s5 =	sadd.s32 s1, s5  }
0x49: {  	[tilespmem:s10], [sflag:$0x1] =	stream.strided.gather [hbm4b:s5+s23], $0x400, s24, s23, $0x38;
	[tilespmem:$0x10100] =	vst v63  }
0x4a: {  	s5 =	sadd.s32 s0, s11  }
0x4b: {  	s12 =	sor.u32 $0x2C00, s3;
	s13 =	sadd.s32 s0, s18;
	s5 =	sadd.s32 s1, s5  }
0x4c: {  	[tilespmem:s12], [sflag:$0x1] =	stream.strided.gather [hbm4b:s5+s23], $0x400, s24, s23, $0x38;
	[tilespmem:$0x10100] =	vst v63  }
0x4d: {  	s14 =	sor.u32 $0x3000, s3;
	s15 =	sadd.s32 s0, s19;
	s5 =	sadd.s32 s1, s13  }
0x4e: {  	[tilespmem:s14], [sflag:$0x1] =	stream.strided.gather [hbm4b:s5+s23], $0x400, s24, s23, $0x38;
	[tilespmem:$0x10100] =	vst v63  }
0x4f: {  	s16 =	sor.u32 $0x3400, s3;
	s17 =	sadd.s32 s0, s20;
	s5 =	sadd.s32 s1, s15  }
0x50: {  	[tilespmem:s16], [sflag:$0x1] =	stream.strided.gather [hbm4b:s5+s23], $0x400, s24, s23, $0x38;
	[tilespmem:$0x10100] =	vst v63  }
0x51: {  	s25 =	sor.u32 $0x3800, s3;
	s0 =	sadd.s32 s0, s21;
	s5 =	sadd.s32 s1, s17  }
0x52: {  	[tilespmem:s25], [sflag:$0x1] =	stream.strided.gather [hbm4b:s5+s23], $0x400, s24, s23, $0x38;
	[tilespmem:$0x10100] =	vst v63  }
0x53: {  	s31 =	sor.u32 $0x3C00, s3;
	s0 =	sadd.s32 s1, s0  }
0x54: {  	[tilespmem:s31], [sflag:$0x1] =	stream.strided.gather [hbm4b:s0+s23], $0x400, s24, s23, $0x38;
	[tilespmem:$0x10100] =	vst v63  }
.LBB1_3:
0x55: {  	s0 =	sadd.s32 $0xFFFFFFFF, s28  }
0x56: {  	p1 =	sge.u32 s0, s6  }
.Ltmp3:
0x57: {  	_ = 	snop;
	(pc) =	sbr.rel @p1 .LBB1_9-.Ltmp3, $1  }
0x58: {  	_ =	sdelay $0x3  }
0x59: {  	s0 =	simm.s32 $0x1;
	s3 =	sand.u32 $0x1, s28  }
0x5a: {  	_ =	swait.ge [sflag:s4], $0x4000;
	s0 =	simm.s32 @!p0 $0x0;
	s3 =	smul.u32 $0x10200, s3  }
0x5b: {  	[sflag:s4] =	ssyncset.done $0x0;
	s1 =	smul.u32 $0x10200, s0  }
0x5c: {  	s0 =	sshll.u32 s0, $0xE;
	[sflag:s4] =	ssyncadd.s32 $0xFFFFC000  }
0x5d: {  	s0 =	sor.u32 $0x20, s0;
	s25 =	sshrl.u32 s3, $0x2;
	s1 =	sshrl.u32 s1, $0x2  }
0x5e: {  	s31 =	sor.u32 $0x8000, s25;
	s25 =	simm.s32 $0x0;
	s15 =	sor.u32 $0x8007, s1  }
.LBB1_5:
0x5f: {  	v0 =	vld.msk [tilespmem:s0+$0xFFFFFFE0], $0xff;
	_ =	sdelay $0x4  }
0x60: {  	[tilespmem:s15+$0xFFFFFFF9 ss:$0x81] =	vst.msk $0xff, v0  }
0x61: {  	v0 =	vld.msk [tilespmem:s0+$0xFFFFFFE8], $0xff  }
0x62: {  	s5 =	sadd.s32 $0x40, s0  }
0x63: {  	v1 =	vld.msk [tilespmem:s5+$0xFFFFFFE0], $0xff;
	_ =	sdelay $0x2  }
0x64: {  	[tilespmem:s15+$0xFFFFFFFA ss:$0x81] =	vst.msk $0xff, v0  }
0x65: {  	s3 =	sadd.s32 $0x8, s15;
	v0 =	vld.msk [tilespmem:s0+$0xFFFFFFF0], $0xff  }
0x66: {  	[tilespmem:s3+$0xFFFFFFF9 ss:$0x81] =	vst.msk $0xff, v1  }
0x67: {  	v1 =	vld.msk [tilespmem:s5+$0xFFFFFFE8], $0xff  }
0x68: {  	s8 =	sadd.s32 $0x40, s5  }
0x69: {  	v2 =	vld.msk [tilespmem:s8+$0xFFFFFFE0], $0xff  }
0x6a: {  	[tilespmem:s15+$0xFFFFFFFB ss:$0x81] =	vst.msk $0xff, v0  }
0x6b: {  	v0 =	vld.msk [tilespmem:s0+$0xFFFFFFF8], $0xff  }
0x6c: {  	[tilespmem:s3+$0xFFFFFFFA ss:$0x81] =	vst.msk $0xff, v1  }
0x6d: {  	s7 =	sadd.s32 $0x8, s3;
	v1 =	vld.msk [tilespmem:s5+$0xFFFFFFF0], $0xff  }
0x6e: {  	[tilespmem:s7+$0xFFFFFFF9 ss:$0x81] =	vst.msk $0xff, v2  }
0x6f: {  	s10 =	sadd.s32 $0x40, s8;
	v2 =	vld.msk [tilespmem:s8+$0xFFFFFFE8], $0xff  }
0x70: {  	[tilespmem:s15+$0xFFFFFFFC ss:$0x81] =	vst.msk $0xff, v0;
	v0 =	vld.msk [tilespmem:s10+$0xFFFFFFE0], $0xff  }
0x71: {  	v3 =	vld.msk [tilespmem:s0+$0x0], $0xff  }
0x72: {  	[tilespmem:s3+$0xFFFFFFFB ss:$0x81] =	vst.msk $0xff, v1  }
0x73: {  	v1 =	vld.msk [tilespmem:s5+$0xFFFFFFF8], $0xff  }
0x74: {  	s9 =	sadd.s32 $0x8, s7;
	[tilespmem:s7+$0xFFFFFFFA ss:$0x81] =	vst.msk $0xff, v2  }
0x75: {  	v2 =	vld.msk [tilespmem:s8+$0xFFFFFFF0], $0xff;
	[tilespmem:s9+$0xFFFFFFF9 ss:$0x81] =	vst.msk $0xff, v0  }
0x76: {  	v0 =	vld.msk [tilespmem:s10+$0xFFFFFFE8], $0xff;
	[tilespmem:s15+$0xFFFFFFFD ss:$0x81] =	vst.msk $0xff, v3  }
0x77: {  	s11 =	sadd.s32 $0x40, s10;
	v3 =	vld.msk [tilespmem:s0+$0x8], $0xff  }
0x78: {  	[tilespmem:s3+$0xFFFFFFFC ss:$0x81] =	vst.msk $0xff, v1;
	v1 =	vld.msk [tilespmem:s11+$0xFFFFFFE0], $0xff  }
0x79: {  	v4 =	vld.msk [tilespmem:s5+$0x0], $0xff  }
0x7a: {  	[tilespmem:s7+$0xFFFFFFFB ss:$0x81] =	vst.msk $0xff, v2  }
0x7b: {  	v2 =	vld.msk [tilespmem:s8+$0xFFFFFFF8], $0xff;
	[tilespmem:s9+$0xFFFFFFFA ss:$0x81] =	vst.msk $0xff, v0  }
0x7c: {  	s12 =	sadd.s32 $0x8, s9;
	v0 =	vld.msk [tilespmem:s10+$0xFFFFFFF0], $0xff;
	[tilespmem:s15+$0xFFFFFFFE ss:$0x81] =	vst.msk $0xff, v3  }
0x7d: {  	[tilespmem:s12+$0xFFFFFFF9 ss:$0x81] =	vst.msk $0xff, v1;
	v1 =	vld.msk [tilespmem:s0+$0x10], $0xff  }
0x7e: {  	[tilespmem:s3+$0xFFFFFFFD ss:$0x81] =	vst.msk $0xff, v4;
	v3 =	vld.msk [tilespmem:s11+$0xFFFFFFE8], $0xff  }
0x7f: {  	s13 =	sadd.s32 $0x40, s11;
	v4 =	vld.msk [tilespmem:s5+$0x8], $0xff  }
0x80: {  	[tilespmem:s7+$0xFFFFFFFC ss:$0x81] =	vst.msk $0xff, v2;
	v2 =	vld.msk [tilespmem:s13+$0xFFFFFFE0], $0xff  }
0x81: {  	v5 =	vld.msk [tilespmem:s8+$0x0], $0xff;
	[tilespmem:s9+$0xFFFFFFFB ss:$0x81] =	vst.msk $0xff, v0  }
0x82: {  	v6 =	vld.msk [tilespmem:s10+$0xFFFFFFF8], $0xff;
	[tilespmem:s15+$0xFFFFFFFF ss:$0x81] =	vst.msk $0xff, v1  }
0x83: {  	[tilespmem:s12+$0xFFFFFFFA ss:$0x81] =	vst.msk $0xff, v3;
	v0 =	vld.msk [tilespmem:s0+$0x18], $0xff  }
0x84: {  	s14 =	sadd.s32 $0x8, s12;
	[tilespmem:s3+$0xFFFFFFFE ss:$0x81] =	vst.msk $0xff, v4;
	v3 =	vld.msk [tilespmem:s11+$0xFFFFFFF0], $0xff  }
0x85: {  	[tilespmem:s14+$0xFFFFFFF9 ss:$0x81] =	vst.msk $0xff, v2;
	v1 =	vld.msk [tilespmem:s5+$0x10], $0xff  }
0x86: {  	[tilespmem:s7+$0xFFFFFFFD ss:$0x81] =	vst.msk $0xff, v5;
	v4 =	vld.msk [tilespmem:s13+$0xFFFFFFE8], $0xff  }
0x87: {  	s16 =	simm.s32 $0x28;
	s1 =	smov.u32 s15;
	s17 =	sadd.s32 $0x40, s13;
	v2 =	vld.msk [tilespmem:s8+$0x8], $0xff;
	[tilespmem:s9+$0xFFFFFFFC ss:$0x81] =	vst.msk $0xff, v6  }
.LBB1_6:
0x88: {  	v5 =	vld.msk [tilespmem:s17+$0xFFFFFFE0], $0xff;
	[tilespmem:s1+$0x0 ss:$0x81] =	vst.msk $0xff, v0;
	s1 =	smov.u32 s3;
	s3 =	smov.u32 s7;
	s7 =	smov.u32 s9  }
0x89: {  	s16 =	sadd.s32 $0x8, s16;
	s9 =	smov.u32 s12;
	[tilespmem:s12+$0xFFFFFFFB ss:$0x81] =	vst.msk $0xff, v3;
	v6 =	vld.msk [tilespmem:s10+$0x0], $0xff;
	s12 =	smov.u32 s14  }
0x8a: {  	p1 =	slt.u32 s16, $0x78;
	v7 =	vld.msk [tilespmem:s11+$0xFFFFFFF8], $0xff;
	[tilespmem:s1+$0xFFFFFFFF ss:$0x81] =	vst.msk $0xff, v1  }
.Ltmp4:
0x8b: {  	[tilespmem:s14+$0xFFFFFFFA ss:$0x81] =	vst.msk $0xff, v4;
	v0 =	vld.msk [tilespmem:s5+$0x18], $0xff;
	s5 =	smov.u32 s8;
	s8 =	smov.u32 s10;
	(pc) =	sbr.rel @p1 .LBB1_6-.Ltmp4, $4  }
0x8c: {  	s14 =	sadd.s32 $0x8, s14;
	s10 =	smov.u32 s11;
	s11 =	smov.u32 s13;
	v3 =	vld.msk [tilespmem:s13+$0xFFFFFFF0], $0xff;
	[tilespmem:s3+$0xFFFFFFFE ss:$0x81] =	vst.msk $0xff, v2  }
0x8d: {  	s13 =	smov.u32 s17;
	[tilespmem:s14+$0xFFFFFFF9 ss:$0x81] =	vst.msk $0xff, v5;
	v1 =	vld.msk [tilespmem:s5+$0x10], $0xff  }
0x8e: {  	v4 =	vld.msk [tilespmem:s17+$0xFFFFFFE8], $0xff;
	[tilespmem:s7+$0xFFFFFFFD ss:$0x81] =	vst.msk $0xff, v6  }
0x8f: {  	s17 =	sadd.s32 $0x40, s17;
	[tilespmem:s9+$0xFFFFFFFC ss:$0x81] =	vst.msk $0xff, v7;
	v2 =	vld.msk [tilespmem:s8+$0x8], $0xff  }
0x90: {  	_ =	sdelay $0x2  }
0x91: {  	[tilespmem:s14+$0xFFFFFFFA ss:$0x81] =	vst.msk $0xff, v4  }
0x92: {  	v4 =	vld.msk [tilespmem:s13+$0xFFFFFFF0], $0xff;
	_ =	sdelay $0x3  }
0x93: {  	[tilespmem:s12+$0xFFFFFFFB ss:$0x81] =	vst.msk $0xff, v3  }
0x94: {  	v3 =	vld.msk [tilespmem:s11+$0xFFFFFFF8], $0xff;
	[tilespmem:s14+$0xFFFFFFFB ss:$0x81] =	vst.msk $0xff, v4  }
0x95: {  	v4 =	vld.msk [tilespmem:s13+$0xFFFFFFF8], $0xff;
	_ =	sdelay $0x3  }
0x96: {  	v5 =	vld.msk [tilespmem:s10+$0x0], $0xff;
	[tilespmem:s12+$0xFFFFFFFC ss:$0x81] =	vst.msk $0xff, v3  }
0x97: {  	v3 =	vld.msk [tilespmem:s11+$0x0], $0xff;
	[tilespmem:s14+$0xFFFFFFFC ss:$0x81] =	vst.msk $0xff, v4  }
0x98: {  	v4 =	vld.msk [tilespmem:s13+$0x0], $0xff;
	_ =	sdelay $0x2  }
0x99: {  	[tilespmem:s9+$0xFFFFFFFD ss:$0x81] =	vst.msk $0xff, v5  }
0x9a: {  	v5 =	vld.msk [tilespmem:s10+$0x8], $0xff;
	[tilespmem:s12+$0xFFFFFFFD ss:$0x81] =	vst.msk $0xff, v3  }
0x9b: {  	v3 =	vld.msk [tilespmem:s11+$0x8], $0xff;
	[tilespmem:s14+$0xFFFFFFFD ss:$0x81] =	vst.msk $0xff, v4  }
0x9c: {  	v4 =	vld.msk [tilespmem:s13+$0x8], $0xff;
	_ =	sdelay $0x1  }
0x9d: {  	[tilespmem:s7+$0xFFFFFFFE ss:$0x81] =	vst.msk $0xff, v2  }
0x9e: {  	v2 =	vld.msk [tilespmem:s8+$0x10], $0xff;
	[tilespmem:s9+$0xFFFFFFFE ss:$0x81] =	vst.msk $0xff, v5  }
0x9f: {  	v5 =	vld.msk [tilespmem:s10+$0x10], $0xff;
	[tilespmem:s12+$0xFFFFFFFE ss:$0x81] =	vst.msk $0xff, v3  }
0xa0: {  	v3 =	vld.msk [tilespmem:s11+$0x10], $0xff;
	[tilespmem:s14+$0xFFFFFFFE ss:$0x81] =	vst.msk $0xff, v4  }
0xa1: {  	v4 =	vld.msk [tilespmem:s13+$0x10], $0xff  }
0xa2: {  	[tilespmem:s3+$0xFFFFFFFF ss:$0x81] =	vst.msk $0xff, v1  }
0xa3: {  	v1 =	vld.msk [tilespmem:s5+$0x18], $0xff;
	[tilespmem:s7+$0xFFFFFFFF ss:$0x81] =	vst.msk $0xff, v2  }
0xa4: {  	v2 =	vld.msk [tilespmem:s8+$0x18], $0xff;
	[tilespmem:s9+$0xFFFFFFFF ss:$0x81] =	vst.msk $0xff, v5  }
0xa5: {  	v61 =	vld.msk [tilespmem:s10+$0x18], $0xff;
	[tilespmem:s12+$0xFFFFFFFF ss:$0x81] =	vst.msk $0xff, v3  }
0xa6: {  	s25 =	sadd.s32 $0x1, s25;
	v62 =	vld.msk [tilespmem:s11+$0x18], $0xff;
	[tilespmem:s14+$0xFFFFFFFF ss:$0x81] =	vst.msk $0xff, v4  }
0xa7: {  	[tilespmem:s1+$0x0 ss:$0x81] =	vst.msk $0xff, v0;
	p1 =	sne.s32 s25, $0x10;
	v63 =	vld.msk [tilespmem:s13+$0x18], $0xff  }
.Ltmp5:
0xa8: {  	[tilespmem:s3+$0x0 ss:$0x81] =	vst.msk $0xff, v1;
	(pc) =	sbr.rel @p1 .LBB1_5-.Ltmp5, $4  }
0xa9: {  	[tilespmem:s7+$0x0 ss:$0x81] =	vst.msk $0xff, v2  }
0xaa: {  	[tilespmem:s9+$0x0 ss:$0x81] =	vst.msk $0xff, v61  }
0xab: {  	[tilespmem:s12+$0x0 ss:$0x81] =	vst.msk $0xff, v62  }
0xac: {  	s15 =	sadd.s32 $0x408, s15;
	s0 =	sadd.s32 $0x400, s0;
	[tilespmem:s14+$0x0 ss:$0x81] =	vst.msk $0xff, v63  }
0xad: {  	s0 =	sshll.u32 s30, $0x3  }
0xae: {  	s1 =	sand.u32 $0x7F, s30;
	s0 =	sand.u32 $0xFFFFFC00, s0  }
0xaf: {  	s1 =	sor.u32 s1, s0;
	s0 =	smulhi.u32 $0xAAAAAAAB, s0  }
0xb0: {  	s3 =	smulhi.u32 $0xAAAAAAAB, s1;
	_ =	sdelay $0x1  }
0xb1: {  	s5 =	smul.u32 $0x300, s29;
	s0 =	sshrl.u32 s0, $0x9;
	s3 =	sshrl.u32 s3, $0x9  }
0xb2: {  	s0 =	sand.u32 $0x7, s0;
	s3 =	smul.u32 $0x300, s3  }
0xb3: {  	s0 =	smul.u32 $0x60, s0  }
.Ltmp6:
0xb4: {  	s16 =	rddreg [dreg:$0x3];
	s1 =	ssub.s32 s1, s3;
	(pc) =	sbr.rel .LBB1_9-.Ltmp6, $4  }
0xb5: {  	s3 =	sadd.s32 s16, s5;
	s17 =	sand.u32 $0x7, s1  }
0xb6: {  	s1 =	sshrl.u32 s1, $0x3;
	s0 =	sadd.s32 s0, s3;
	s25 =	sshll.u32 s17, $0x12  }
0xb7: {  	s30 =	simm.s32 $0x1800;
	s0 =	sadd.s32 s1, s0;
	s29 =	sor.u32 $0x400, s25  }
0xb8: {  	[hbm4b:s0+s29] =	stream.strided.scatter [tilespmem:s31], [sflag:$0x2], $0x4000, s30, s29, $0x20;
	[tilespmem:$0x10100] =	vst v63  }
.LBB1_10:
0xb9: {  	_ =	sfence.sel $0x180000  }
0xba: {  	s0 =	simm.s32 $0x1;
	[bflag:$0x0] =	sbarrier.arrive $0xFFFF  }
0xbb: {  	s30 =	simm.s32 $0x2;
	[sflag:s0] =	ssyncpa.u1 $0x1  }
0xbc: {  	[sflag:s30] =	ssyncpa.u1 $0x1  }
0xbd: {  	_ =	strace $0x90000047  }
0xbe: {  	s31 =	stileid.u32;
	[bflag:$0x2] =	sbarrier.arrive $0xFFFF  }
0xbf: {  	p0 =	sne.s32 s31, $0x0;
	s0 =	rddreg [dreg:$0x1]  }
0xc0: {  	s0 =	sadd.s32 @!p0 $0x100000, s0  }
0xc1: {  	[sflag:s0] =	ssyncadd.tile.s32 @!p0 $0x1;
	_ =	shalt  }
.Lfunc_end1:
_tile_overlayer_lowered:
.L_overlay_start_2:
0xc2: {  	(tag) =	ssettag $0x2  }
0xc3: {  	s0 =	rddreg [dreg:$0x0];
	s2 =	stileid.u32  }
0xc4: {  	s1 =	rddreg [dreg:$0x1];
	p0 =	sne.s32 s2, $0x0  }
0xc5: {  	s3 =	rddreg [dreg:$0x2];
	[bflag:$0x3] =	sbarrier.arrive $0xFFFF;
	s2 =	simm.s32 @!p0 $0x1C01  }
0xc6: {  	[timem:s3], [sflag:s2] =	dma.local @!p0 [hbm:s0], s1  }
0xc7: {  	s0 =	simm.s32 @!p0 $0x1  }
0xc8: {  	_ =	swait.ge @!p0 [sflag:s0], s1  }
0xc9: {  	s1 =	ssub.s32 @!p0 $0x0, s1;
	[sflag:s0] =	ssyncset.done @!p0 $0x0  }
0xca: {  	[sflag:s0] =	ssyncadd.s32 @!p0 s1  }
0xcb: {  	[bflag:$0x3] =	sbarrier.arrive $0xFFFF  }
0xcc: {  	_ =	shalt  }

</sc_bundles>
